<compile_context>
chip_gen: v7x
topology: tpu7x:2x2x1
jax: 0.10.2.dev20260603
libtpu: 0.0.44.dev20260713+nightly
codegen_flags: <defaults>
</compile_context>

<pallas_src>
import functools

import jax
import jax.numpy as jnp
from jax import lax
from jax.experimental import pallas as pl
from jax.experimental.pallas import tpu as pltpu
from jax.experimental.pallas import tpu_sc as plsc

EMB = 32
HID = 128
NCLS = 10
B = 4096
L = 200
HALF = L // 2
NW = 32
SEQ_PER_W = B // NW


def _pool_body(x_hbm, table_hbm, out_hbm, idx_v, rows_v, sum_v, sem):
    c = lax.axis_index("c")
    s = lax.axis_index("s")
    wid = s * 2 + c
    base = wid * SEQ_PER_W

    pltpu.sync_copy(x_hbm.at[pl.ds(base, SEQ_PER_W)], idx_v)

    def seq_body(i, _):
        cp0 = pltpu.async_copy(
            table_hbm.at[idx_v.at[i, 0]], rows_v.at[pl.ds(0, HALF)], sem)
        cp1 = pltpu.async_copy(
            table_hbm.at[idx_v.at[i, 1]], rows_v.at[pl.ds(HALF, HALF)], sem)
        cp0.wait()
        cp1.wait()

        def red(t, carry):
            a0, a1 = carry
            for u in range(8):
                r = t * 8 + u
                a0 = a0 + rows_v[r, pl.ds(0, 16)]
                a1 = a1 + rows_v[r, pl.ds(16, 16)]
            return a0, a1

        z = jnp.zeros((16,), jnp.float32)
        a0, a1 = lax.fori_loop(0, L // 8, red, (z, z))
        sum_v[i, pl.ds(0, 16)] = a0
        sum_v[i, pl.ds(16, 16)] = a1
        return 0

    lax.fori_loop(0, SEQ_PER_W, seq_body, 0)
    pltpu.sync_copy(sum_v, out_hbm.at[pl.ds(base, SEQ_PER_W)])


@functools.partial(jax.jit, static_argnames=())
def _pool(x3, table):
    mesh = plsc.VectorSubcoreMesh(core_axis_name="c", subcore_axis_name="s")
    k = pl.kernel(
        _pool_body,
        out_type=jax.ShapeDtypeStruct((B, EMB), jnp.float32),
        mesh=mesh,
        scratch_types=[
            pltpu.VMEM((SEQ_PER_W, 2, HALF), jnp.int32),
            pltpu.VMEM((L, EMB), jnp.float32),
            pltpu.VMEM((SEQ_PER_W, EMB), jnp.float32),
            pltpu.SemaphoreType.DMA,
        ],
        compiler_params=pltpu.CompilerParams(use_tc_tiling_on_sc=False),
    )
    return k(x3, table)


def _mlp_body(sum_ref, len_ref, w1_ref, b1_ref, w2_ref, b2_ref, out_ref):
    lens = jnp.maximum(len_ref[...].astype(jnp.float32), 1.0)
    avg = sum_ref[...] / lens
    h = lax.dot_general(avg, w1_ref[...], (((1,), (1,)), ((), ())),
                        preferred_element_type=jnp.float32) + b1_ref[...]
    h = jnp.maximum(h, 0.0)
    out_ref[...] = lax.dot_general(h, w2_ref[...], (((1,), (1,)), ((), ())),
                                   preferred_element_type=jnp.float32) + b2_ref[...]


def _mlp(summed, lengths, W1, b1, W2, b2):
    return pl.pallas_call(
        _mlp_body,
        out_shape=jax.ShapeDtypeStruct((B, NCLS), jnp.float32),
    )(summed, lengths.reshape(B, 1), W1, b1.reshape(1, HID), W2,
      b2.reshape(1, NCLS))


def kernel(x, lengths, table, W1, b1, W2, b2):
    x3 = x.reshape(B, 2, HALF)
    summed = _pool(x3, table)
    return _mlp(summed, lengths, W1, b1, W2, b2)

# --- scband reference (transcript-rebuilt; emitter-appended) ---
"""Pipeline reference for scband-text-classifier-1477468750394 (READ-ONLY COPY).

The authoritative reference and input builder live on the scoring server;
editing this copy changes nothing except your own understanding.
"""

import jax, jax.numpy as jnp
import numpy as np

VOCAB = 1000000
EMB = 32
HID = 128
NCLS = 10
B = 4096
L = 200

def setup_inputs(seed: int = 0) -> dict:
    key = jax.random.key(seed)
    k1, k2, k3, k4, k5, k6, k7 = jax.random.split(key, 7)
    x = jax.random.randint(k1, (B, L), 0, VOCAB, dtype=jnp.int64 if jax.config.jax_enable_x64 else jnp.int32)
    lengths = jax.random.randint(k2, (B,), 0, L, dtype=jnp.int64 if jax.config.jax_enable_x64 else jnp.int32)
    table = jax.random.normal(k3, (VOCAB, EMB), dtype=jnp.float32)
    table = table.at[0].set(0.0)  # padding_idx=0 row is zero
    W1 = jax.random.normal(k4, (HID, EMB), dtype=jnp.float32) * (1.0 / np.sqrt(EMB))
    b1 = jax.random.normal(k5, (HID,), dtype=jnp.float32) * 0.01
    W2 = jax.random.normal(k6, (NCLS, HID), dtype=jnp.float32) * (1.0 / np.sqrt(HID))
    b2 = jax.random.normal(k7, (NCLS,), dtype=jnp.float32) * 0.01
    return {"x": x, "lengths": lengths, "table": table, "W1": W1, "b1": b1, "W2": W2, "b2": b2}

def reference(x, lengths, table, W1, b1, W2, b2):
    # Embedding lookup (gather)
    emb = jnp.take(table, x, axis=0)            # [B, L, EMB]
    mask = (x != 0)[..., None].astype(jnp.float32)
    summed = (emb * mask).sum(axis=1)           # [B, EMB]
    lens = jnp.clip(lengths, 1, None).astype(jnp.float32)[:, None]  # [B, 1]
    avg = summed / lens
    h = jax.nn.relu(avg @ W1.T + b1)            # dropout is identity in eval mode
    out = h @ W2.T + b2
    return out

if __name__ == "__main__":
    import jax
    _d = setup_inputs()
    print(jax.jit(kernel)(*tuple(_d.values())))

</pallas_src>

<mosaic_0001>
#map = affine_map<(d0, d1) -> (0, 0, 0)>
#map1 = affine_map<(d0, d1) -> (0, 0)>
module attributes {stable_mosaic.version = 14 : i64} {
  func.func @_pool_body(%arg0: i32, %arg1: i32, %arg2: memref<4096x2x100xi32, #tpu.memory_space<hbm>>, %arg3: memref<1000000x32xf32, #tpu.memory_space<hbm>>, %arg4: memref<4096x32xf32, #tpu.memory_space<hbm>>, %arg5: memref<128x2x100xi32, #tpu.memory_space<vmem>>, %arg6: memref<200x32xf32, #tpu.memory_space<vmem>>, %arg7: memref<128x32xf32, #tpu.memory_space<vmem>>, %arg8: memref<!tpu.dma_semaphore, #tpu.memory_space<semaphore_mem>>) attributes {dimension_semantics = [#tpu.dimension_semantics<core_parallel>, #tpu.dimension_semantics<subcore_parallel>], iteration_bounds = array<i64: 2, 16>, scalar_prefetch = 0 : i64, scratch_operands = 4 : i64, tpu.core_type = #tpu.core_type<sc_vector_subcore>, window_params = [{transform_indices = #map}, {transform_indices = #map1}, {transform_indices = #map1}]} {
    %mul3A = arith.constant 2 : i32
    %mul3A_0 = arith.muli %arg1, %mul3A : i32
    %add3A = arith.addi %mul3A_0, %arg0 : i32
    %mul3A_1 = arith.constant 128 : i32
    %mul3A_2 = arith.muli %add3A, %mul3A_1 : i32
    "tpu.region"() ({
      %run_scoped3A = tpu.sem_alloc : memref<!tpu.dma_semaphore, #tpu.memory_space<semaphore_mem>>
      %dma_start3A = arith.constant 0 : i32
      %dma_start3A_9 = arith.constant 0 : i32
      %dma_start3A_10 = tpu.memref_slice %arg2[%mul3A_2, %dma_start3A, %dma_start3A_9] : memref<4096x2x100xi32, #tpu.memory_space<hbm>> -> memref<128x2x100xi32, #tpu.memory_space<hbm>>
      %dma_start3A_11 = arith.constant 0 : i32
      %dma_start3A_12 = arith.constant 0 : i32
      %dma_start3A_13 = tpu.memref_slice %arg2[%mul3A_2, %dma_start3A_11, %dma_start3A_12] : memref<4096x2x100xi32, #tpu.memory_space<hbm>> -> memref<128x2x100xi32, #tpu.memory_space<hbm>>
      tpu.enqueue_dma source(%dma_start3A_13 : memref<128x2x100xi32, #tpu.memory_space<hbm>>) target(%arg5 : memref<128x2x100xi32, #tpu.memory_space<vmem>>) target_semaphore(%run_scoped3A : memref<!tpu.dma_semaphore, #tpu.memory_space<semaphore_mem>>)
      %dma_wait3A = arith.constant 0 : i32
      %dma_wait3A_14 = arith.constant 0 : i32
      %dma_wait3A_15 = tpu.memref_slice %arg2[%mul3A_2, %dma_wait3A, %dma_wait3A_14] : memref<4096x2x100xi32, #tpu.memory_space<hbm>> -> memref<128x2x100xi32, #tpu.memory_space<hbm>>
      %dma_wait3A_16 = arith.constant 0 : i32
      %dma_wait3A_17 = arith.constant 0 : i32
      %dma_wait3A_18 = tpu.memref_slice %arg2[%mul3A_2, %dma_wait3A_16, %dma_wait3A_17] : memref<4096x2x100xi32, #tpu.memory_space<hbm>> -> memref<128x2x100xi32, #tpu.memory_space<hbm>>
      tpu.wait_dma2 semaphore(%run_scoped3A : memref<!tpu.dma_semaphore, #tpu.memory_space<semaphore_mem>>) src(%dma_wait3A_18 : memref<128x2x100xi32, #tpu.memory_space<hbm>>) dst(%arg5 : memref<128x2x100xi32, #tpu.memory_space<vmem>>)
      tpu.yield
    }) : () -> ()
    %scan3A = arith.constant 0 : i32
    %scan3A_3 = arith.constant 0 : i32
    %scan3A_4 = arith.constant 128 : i32
    %scan3A_5 = arith.addi %scan3A_3, %scan3A_4 : i32
    %scan3A_6 = arith.constant 1 : i32
    %scan3A_7 = scf.for %scan3A_9 = %scan3A_3 to %scan3A_5 step %scan3A_6 iter_args(%scan3A_10 = %scan3A) -> (i32)  : i32 {
      %dma_start3A = arith.constant 0 : i32
      %dma_start3A_11 = arith.constant 0 : i32
      %dma_start3A_12 = arith.constant 0 : i32
      %dma_start3A_13 = tpu.memref_slice %arg6[%dma_start3A_11, %dma_start3A_12] : memref<200x32xf32, #tpu.memory_space<vmem>> -> memref<100x32xf32, #tpu.memory_space<vmem>>
      %dma_start3A_14 = arith.constant 0 : i32
      %dma_start3A_15 = tpu.memref_slice %arg5[%scan3A_9, %dma_start3A, %dma_start3A_14] : memref<128x2x100xi32, #tpu.memory_space<vmem>> -> memref<1x1x100xi32, #tpu.memory_space<vmem>>
      %dma_start3A_16 = tpu.memref_squeeze %dma_start3A_15 : memref<1x1x100xi32, #tpu.memory_space<vmem>> -> memref<100xi32, #tpu.memory_space<vmem>>
      %dma_start3A_17 = arith.constant 0 : i32
      %dma_start3A_18 = arith.constant 0 : i32
      %dma_start3A_19 = tpu.memref_slice %arg3[%dma_start3A_17, %dma_start3A_18] : memref<1000000x32xf32, #tpu.memory_space<hbm>> -> memref<1000000x32xf32, #tpu.memory_space<hbm>>
      tpu.enqueue_indirect_dma source(%dma_start3A_19 : memref<1000000x32xf32, #tpu.memory_space<hbm>>) target(%dma_start3A_13 : memref<100x32xf32, #tpu.memory_space<vmem>>) offsets(%dma_start3A_16 : memref<100xi32, #tpu.memory_space<vmem>>) semaphore(%arg8 : memref<!tpu.dma_semaphore, #tpu.memory_space<semaphore_mem>>)
      %dma_start3A_20 = arith.constant 1 : i32
      %dma_start3A_21 = arith.constant 100 : i32
      %dma_start3A_22 = arith.constant 0 : i32
      %dma_start3A_23 = tpu.memref_slice %arg6[%dma_start3A_21, %dma_start3A_22] : memref<200x32xf32, #tpu.memory_space<vmem>> -> memref<100x32xf32, #tpu.memory_space<vmem>>
      %dma_start3A_24 = arith.constant 0 : i32
      %dma_start3A_25 = tpu.memref_slice %arg5[%scan3A_9, %dma_start3A_20, %dma_start3A_24] : memref<128x2x100xi32, #tpu.memory_space<vmem>> -> memref<1x1x100xi32, #tpu.memory_space<vmem>>
      %dma_start3A_26 = tpu.memref_squeeze %dma_start3A_25 : memref<1x1x100xi32, #tpu.memory_space<vmem>> -> memref<100xi32, #tpu.memory_space<vmem>>
      %dma_start3A_27 = arith.constant 0 : i32
      %dma_start3A_28 = arith.constant 0 : i32
      %dma_start3A_29 = tpu.memref_slice %arg3[%dma_start3A_27, %dma_start3A_28] : memref<1000000x32xf32, #tpu.memory_space<hbm>> -> memref<1000000x32xf32, #tpu.memory_space<hbm>>
      tpu.enqueue_indirect_dma source(%dma_start3A_29 : memref<1000000x32xf32, #tpu.memory_space<hbm>>) target(%dma_start3A_23 : memref<100x32xf32, #tpu.memory_space<vmem>>) offsets(%dma_start3A_26 : memref<100xi32, #tpu.memory_space<vmem>>) semaphore(%arg8 : memref<!tpu.dma_semaphore, #tpu.memory_space<semaphore_mem>>)
      %dma_wait3A = arith.constant 0 : i32
      %dma_wait3A_30 = arith.constant 0 : i32
      %dma_wait3A_31 = arith.constant 0 : i32
      %dma_wait3A_32 = tpu.memref_slice %arg6[%dma_wait3A_30, %dma_wait3A_31] : memref<200x32xf32, #tpu.memory_space<vmem>> -> memref<100x32xf32, #tpu.memory_space<vmem>>
      %dma_wait3A_33 = arith.constant 0 : i32
      %dma_wait3A_34 = tpu.memref_slice %arg5[%scan3A_9, %dma_wait3A, %dma_wait3A_33] : memref<128x2x100xi32, #tpu.memory_space<vmem>> -> memref<1x1x100xi32, #tpu.memory_space<vmem>>
      %dma_wait3A_35 = tpu.memref_squeeze %dma_wait3A_34 : memref<1x1x100xi32, #tpu.memory_space<vmem>> -> memref<100xi32, #tpu.memory_space<vmem>>
      %dma_wait3A_36 = arith.constant 0 : i32
      %dma_wait3A_37 = arith.constant 0 : i32
      %dma_wait3A_38 = tpu.memref_slice %arg3[%dma_wait3A_36, %dma_wait3A_37] : memref<1000000x32xf32, #tpu.memory_space<hbm>> -> memref<1000000x32xf32, #tpu.memory_space<hbm>>
      tpu.wait_indirect_dma semaphore(%arg8 : memref<!tpu.dma_semaphore, #tpu.memory_space<semaphore_mem>>) src(%dma_wait3A_38 : memref<1000000x32xf32, #tpu.memory_space<hbm>>) dst(%dma_wait3A_32 : memref<100x32xf32, #tpu.memory_space<vmem>>)
      %dma_wait3A_39 = arith.constant 1 : i32
      %dma_wait3A_40 = arith.constant 100 : i32
      %dma_wait3A_41 = arith.constant 0 : i32
      %dma_wait3A_42 = tpu.memref_slice %arg6[%dma_wait3A_40, %dma_wait3A_41] : memref<200x32xf32, #tpu.memory_space<vmem>> -> memref<100x32xf32, #tpu.memory_space<vmem>>
      %dma_wait3A_43 = arith.constant 0 : i32
      %dma_wait3A_44 = tpu.memref_slice %arg5[%scan3A_9, %dma_wait3A_39, %dma_wait3A_43] : memref<128x2x100xi32, #tpu.memory_space<vmem>> -> memref<1x1x100xi32, #tpu.memory_space<vmem>>
      %dma_wait3A_45 = tpu.memref_squeeze %dma_wait3A_44 : memref<1x1x100xi32, #tpu.memory_space<vmem>> -> memref<100xi32, #tpu.memory_space<vmem>>
      %dma_wait3A_46 = arith.constant 0 : i32
      %dma_wait3A_47 = arith.constant 0 : i32
      %dma_wait3A_48 = tpu.memref_slice %arg3[%dma_wait3A_46, %dma_wait3A_47] : memref<1000000x32xf32, #tpu.memory_space<hbm>> -> memref<1000000x32xf32, #tpu.memory_space<hbm>>
      tpu.wait_indirect_dma semaphore(%arg8 : memref<!tpu.dma_semaphore, #tpu.memory_space<semaphore_mem>>) src(%dma_wait3A_48 : memref<1000000x32xf32, #tpu.memory_space<hbm>>) dst(%dma_wait3A_42 : memref<100x32xf32, #tpu.memory_space<vmem>>)
      %broadcast_in_dim3A = arith.constant 0.000000e+00 : f32
      %broadcast_in_dim3A_49 = vector.broadcast %broadcast_in_dim3A : f32 to vector<16xf32>
      %scan3A_50 = arith.constant 0 : i32
      %scan3A_51 = arith.constant 25 : i32
      %scan3A_52 = arith.addi %scan3A_50, %scan3A_51 : i32
      %scan3A_53 = arith.constant 1 : i32
      %scan3A_54:2 = scf.for %scan3A_66 = %scan3A_50 to %scan3A_52 step %scan3A_53 iter_args(%scan3A_67 = %broadcast_in_dim3A_49, %scan3A_68 = %broadcast_in_dim3A_49) -> (vector<16xf32>, vector<16xf32>)  : i32 {
        %mul3A_69 = arith.constant 8 : i32
        %mul3A_70 = arith.muli %scan3A_66, %mul3A_69 : i32
        %add3A_71 = arith.constant 0 : i32
        %add3A_72 = arith.addi %mul3A_70, %add3A_71 : i32
        %get3A = arith.index_cast %add3A_72 : i32 to index
        %get3A_73 = arith.constant 0 : index
        %get3A_74 = tpu.vector_load %arg6[%get3A, %get3A_73] {strides = array<i32>} : memref<200x32xf32, #tpu.memory_space<vmem>>, vector<1x16xf32>,
        %get3A_75 = vector.shape_cast %get3A_74 : vector<1x16xf32> to vector<16xf32>
        %add3A_76 = arith.addf %scan3A_67, %get3A_75 : vector<16xf32>
        %get3A_77 = arith.index_cast %add3A_72 : i32 to index
        %get3A_78 = arith.constant 16 : index
        %get3A_79 = tpu.vector_load %arg6[%get3A_77, %get3A_78] {strides = array<i32>} : memref<200x32xf32, #tpu.memory_space<vmem>>, vector<1x16xf32>,
        %get3A_80 = vector.shape_cast %get3A_79 : vector<1x16xf32> to vector<16xf32>
        %add3A_81 = arith.addf %scan3A_68, %get3A_80 : vector<16xf32>
        %mul3A_82 = arith.constant 8 : i32
        %mul3A_83 = arith.muli %scan3A_66, %mul3A_82 : i32
        %add3A_84 = arith.constant 1 : i32
        %add3A_85 = arith.addi %mul3A_83, %add3A_84 : i32
        %get3A_86 = arith.index_cast %add3A_85 : i32 to index
        %get3A_87 = arith.constant 0 : index
        %get3A_88 = tpu.vector_load %arg6[%get3A_86, %get3A_87] {strides = array<i32>} : memref<200x32xf32, #tpu.memory_space<vmem>>, vector<1x16xf32>,
        %get3A_89 = vector.shape_cast %get3A_88 : vector<1x16xf32> to vector<16xf32>
        %add3A_90 = arith.addf %add3A_76, %get3A_89 : vector<16xf32>
        %get3A_91 = arith.index_cast %add3A_85 : i32 to index
        %get3A_92 = arith.constant 16 : index
        %get3A_93 = tpu.vector_load %arg6[%get3A_91, %get3A_92] {strides = array<i32>} : memref<200x32xf32, #tpu.memory_space<vmem>>, vector<1x16xf32>,
        %get3A_94 = vector.shape_cast %get3A_93 : vector<1x16xf32> to vector<16xf32>
        %add3A_95 = arith.addf %add3A_81, %get3A_94 : vector<16xf32>
        %mul3A_96 = arith.constant 8 : i32
        %mul3A_97 = arith.muli %scan3A_66, %mul3A_96 : i32
        %add3A_98 = arith.constant 2 : i32
        %add3A_99 = arith.addi %mul3A_97, %add3A_98 : i32
        %get3A_100 = arith.index_cast %add3A_99 : i32 to index
        %get3A_101 = arith.constant 0 : index
        %get3A_102 = tpu.vector_load %arg6[%get3A_100, %get3A_101] {strides = array<i32>} : memref<200x32xf32, #tpu.memory_space<vmem>>, vector<1x16xf32>,
        %get3A_103 = vector.shape_cast %get3A_102 : vector<1x16xf32> to vector<16xf32>
        %add3A_104 = arith.addf %add3A_90, %get3A_103 : vector<16xf32>
        %get3A_105 = arith.index_cast %add3A_99 : i32 to index
        %get3A_106 = arith.constant 16 : index
        %get3A_107 = tpu.vector_load %arg6[%get3A_105, %get3A_106] {strides = array<i32>} : memref<200x32xf32, #tpu.memory_space<vmem>>, vector<1x16xf32>,
        %get3A_108 = vector.shape_cast %get3A_107 : vector<1x16xf32> to vector<16xf32>
        %add3A_109 = arith.addf %add3A_95, %get3A_108 : vector<16xf32>
        %mul3A_110 = arith.constant 8 : i32
        %mul3A_111 = arith.muli %scan3A_66, %mul3A_110 : i32
        %add3A_112 = arith.constant 3 : i32
        %add3A_113 = arith.addi %mul3A_111, %add3A_112 : i32
        %get3A_114 = arith.index_cast %add3A_113 : i32 to index
        %get3A_115 = arith.constant 0 : index
        %get3A_116 = tpu.vector_load %arg6[%get3A_114, %get3A_115] {strides = array<i32>} : memref<200x32xf32, #tpu.memory_space<vmem>>, vector<1x16xf32>,
        %get3A_117 = vector.shape_cast %get3A_116 : vector<1x16xf32> to vector<16xf32>
        %add3A_118 = arith.addf %add3A_104, %get3A_117 : vector<16xf32>
        %get3A_119 = arith.index_cast %add3A_113 : i32 to index
        %get3A_120 = arith.constant 16 : index
        %get3A_121 = tpu.vector_load %arg6[%get3A_119, %get3A_120] {strides = array<i32>} : memref<200x32xf32, #tpu.memory_space<vmem>>, vector<1x16xf32>,
        %get3A_122 = vector.shape_cast %get3A_121 : vector<1x16xf32> to vector<16xf32>
        %add3A_123 = arith.addf %add3A_109, %get3A_122 : vector<16xf32>
        %mul3A_124 = arith.constant 8 : i32
        %mul3A_125 = arith.muli %scan3A_66, %mul3A_124 : i32
        %add3A_126 = arith.constant 4 : i32
        %add3A_127 = arith.addi %mul3A_125, %add3A_126 : i32
        %get3A_128 = arith.index_cast %add3A_127 : i32 to index
        %get3A_129 = arith.constant 0 : index
        %get3A_130 = tpu.vector_load %arg6[%get3A_128, %get3A_129] {strides = array<i32>} : memref<200x32xf32, #tpu.memory_space<vmem>>, vector<1x16xf32>,
        %get3A_131 = vector.shape_cast %get3A_130 : vector<1x16xf32> to vector<16xf32>
        %add3A_132 = arith.addf %add3A_118, %get3A_131 : vector<16xf32>
        %get3A_133 = arith.index_cast %add3A_127 : i32 to index
        %get3A_134 = arith.constant 16 : index
        %get3A_135 = tpu.vector_load %arg6[%get3A_133, %get3A_134] {strides = array<i32>} : memref<200x32xf32, #tpu.memory_space<vmem>>, vector<1x16xf32>,
        %get3A_136 = vector.shape_cast %get3A_135 : vector<1x16xf32> to vector<16xf32>
        %add3A_137 = arith.addf %add3A_123, %get3A_136 : vector<16xf32>
        %mul3A_138 = arith.constant 8 : i32
        %mul3A_139 = arith.muli %scan3A_66, %mul3A_138 : i32
        %add3A_140 = arith.constant 5 : i32
        %add3A_141 = arith.addi %mul3A_139, %add3A_140 : i32
        %get3A_142 = arith.index_cast %add3A_141 : i32 to index
        %get3A_143 = arith.constant 0 : index
        %get3A_144 = tpu.vector_load %arg6[%get3A_142, %get3A_143] {strides = array<i32>} : memref<200x32xf32, #tpu.memory_space<vmem>>, vector<1x16xf32>,
        %get3A_145 = vector.shape_cast %get3A_144 : vector<1x16xf32> to vector<16xf32>
        %add3A_146 = arith.addf %add3A_132, %get3A_145 : vector<16xf32>
        %get3A_147 = arith.index_cast %add3A_141 : i32 to index
        %get3A_148 = arith.constant 16 : index
        %get3A_149 = tpu.vector_load %arg6[%get3A_147, %get3A_148] {strides = array<i32>} : memref<200x32xf32, #tpu.memory_space<vmem>>, vector<1x16xf32>,
        %get3A_150 = vector.shape_cast %get3A_149 : vector<1x16xf32> to vector<16xf32>
        %add3A_151 = arith.addf %add3A_137, %get3A_150 : vector<16xf32>
        %mul3A_152 = arith.constant 8 : i32
        %mul3A_153 = arith.muli %scan3A_66, %mul3A_152 : i32
        %add3A_154 = arith.constant 6 : i32
        %add3A_155 = arith.addi %mul3A_153, %add3A_154 : i32
        %get3A_156 = arith.index_cast %add3A_155 : i32 to index
        %get3A_157 = arith.constant 0 : index
        %get3A_158 = tpu.vector_load %arg6[%get3A_156, %get3A_157] {strides = array<i32>} : memref<200x32xf32, #tpu.memory_space<vmem>>, vector<1x16xf32>,
        %get3A_159 = vector.shape_cast %get3A_158 : vector<1x16xf32> to vector<16xf32>
        %add3A_160 = arith.addf %add3A_146, %get3A_159 : vector<16xf32>
        %get3A_161 = arith.index_cast %add3A_155 : i32 to index
        %get3A_162 = arith.constant 16 : index
        %get3A_163 = tpu.vector_load %arg6[%get3A_161, %get3A_162] {strides = array<i32>} : memref<200x32xf32, #tpu.memory_space<vmem>>, vector<1x16xf32>,
        %get3A_164 = vector.shape_cast %get3A_163 : vector<1x16xf32> to vector<16xf32>
        %add3A_165 = arith.addf %add3A_151, %get3A_164 : vector<16xf32>
        %mul3A_166 = arith.constant 8 : i32
        %mul3A_167 = arith.muli %scan3A_66, %mul3A_166 : i32
        %add3A_168 = arith.constant 7 : i32
        %add3A_169 = arith.addi %mul3A_167, %add3A_168 : i32
        %get3A_170 = arith.index_cast %add3A_169 : i32 to index
        %get3A_171 = arith.constant 0 : index
        %get3A_172 = tpu.vector_load %arg6[%get3A_170, %get3A_171] {strides = array<i32>} : memref<200x32xf32, #tpu.memory_space<vmem>>, vector<1x16xf32>,
        %get3A_173 = vector.shape_cast %get3A_172 : vector<1x16xf32> to vector<16xf32>
        %add3A_174 = arith.addf %add3A_160, %get3A_173 : vector<16xf32>
        %get3A_175 = arith.index_cast %add3A_169 : i32 to index
        %get3A_176 = arith.constant 16 : index
        %get3A_177 = tpu.vector_load %arg6[%get3A_175, %get3A_176] {strides = array<i32>} : memref<200x32xf32, #tpu.memory_space<vmem>>, vector<1x16xf32>,
        %get3A_178 = vector.shape_cast %get3A_177 : vector<1x16xf32> to vector<16xf32>
        %add3A_179 = arith.addf %add3A_165, %get3A_178 : vector<16xf32>
        scf.yield %add3A_174, %add3A_179 : vector<16xf32>, vector<16xf32>
      }
      %scan3A_55 = arith.constant 25 : i32
      %swap3A = arith.index_cast %scan3A_9 : i32 to index
      %swap3A_56 = arith.constant 0 : index
      %swap3A_57 = tpu.vector_load %arg7[%swap3A, %swap3A_56] {strides = array<i32>} : memref<128x32xf32, #tpu.memory_space<vmem>>, vector<1x16xf32>,
      %swap3A_58 = vector.shape_cast %swap3A_57 : vector<1x16xf32> to vector<16xf32>
      %swap3A_59 = vector.shape_cast %scan3A_54#0 : vector<16xf32> to vector<1x16xf32>
      tpu.vector_store %arg7[%swap3A, %swap3A_56], %swap3A_59 {strides = array<i32>} : memref<128x32xf32, #tpu.memory_space<vmem>>, vector<1x16xf32>,
      %swap3A_60 = arith.index_cast %scan3A_9 : i32 to index
      %swap3A_61 = arith.constant 16 : index
      %swap3A_62 = tpu.vector_load %arg7[%swap3A_60, %swap3A_61] {strides = array<i32>} : memref<128x32xf32, #tpu.memory_space<vmem>>, vector<1x16xf32>,
      %swap3A_63 = vector.shape_cast %swap3A_62 : vector<1x16xf32> to vector<16xf32>
      %swap3A_64 = vector.shape_cast %scan3A_54#1 : vector<16xf32> to vector<1x16xf32>
      tpu.vector_store %arg7[%swap3A_60, %swap3A_61], %swap3A_64 {strides = array<i32>} : memref<128x32xf32, #tpu.memory_space<vmem>>, vector<1x16xf32>,
      %scan3A_65 = arith.constant 0 : i32
      scf.yield %scan3A_65 : i32
    }
    %scan3A_8 = arith.constant 128 : i32
    "tpu.region"() ({
      %run_scoped3A = tpu.sem_alloc : memref<!tpu.dma_semaphore, #tpu.memory_space<semaphore_mem>>
      %dma_start3A = arith.constant 0 : i32
      %dma_start3A_9 = tpu.memref_slice %arg4[%mul3A_2, %dma_start3A] : memref<4096x32xf32, #tpu.memory_space<hbm>> -> memref<128x32xf32, #tpu.memory_space<hbm>>
      %dma_start3A_10 = arith.constant 0 : i32
      %dma_start3A_11 = tpu.memref_slice %arg4[%mul3A_2, %dma_start3A_10] : memref<4096x32xf32, #tpu.memory_space<hbm>> -> memref<128x32xf32, #tpu.memory_space<hbm>>
      tpu.enqueue_dma source(%arg7 : memref<128x32xf32, #tpu.memory_space<vmem>>) target(%dma_start3A_11 : memref<128x32xf32, #tpu.memory_space<hbm>>) target_semaphore(%run_scoped3A : memref<!tpu.dma_semaphore, #tpu.memory_space<semaphore_mem>>)
      %dma_wait3A = arith.constant 0 : i32
      %dma_wait3A_12 = tpu.memref_slice %arg4[%mul3A_2, %dma_wait3A] : memref<4096x32xf32, #tpu.memory_space<hbm>> -> memref<128x32xf32, #tpu.memory_space<hbm>>
      %dma_wait3A_13 = arith.constant 0 : i32
      %dma_wait3A_14 = tpu.memref_slice %arg4[%mul3A_2, %dma_wait3A_13] : memref<4096x32xf32, #tpu.memory_space<hbm>> -> memref<128x32xf32, #tpu.memory_space<hbm>>
      tpu.wait_dma2 semaphore(%run_scoped3A : memref<!tpu.dma_semaphore, #tpu.memory_space<semaphore_mem>>) src(%arg7 : memref<128x32xf32, #tpu.memory_space<vmem>>) dst(%dma_wait3A_14 : memref<128x32xf32, #tpu.memory_space<hbm>>)
      tpu.yield
    }) : () -> ()
    return
  }
}

</mosaic_0001>

<sc_bundles>
// kernel: _pool.3.cloned.1.call-start
scs
__scs_entry_jumppad:
0x0: {  	(pc) =	sbr.rel $0x88, $3  }
0x1: {  	(tag) =	ssettag $0x0;
	lr =	simm.s32 $0x1  }
0x2: {  	[smem:$0x3F9F] =	sst lr;
	_ =	strace $0xD0000000  }
0x3: {  	_ = 	snop  }
0x4: {  	_ = 	snop  }
0x5: {  	_ = 	snop  }
0x6: {  	_ = 	snop  }
0x7: {  	_ = 	snop  }
__scs_overlays_trampoline_lowered:
0x8: {  	[smem:$0x3FAE] =	sst s0  }
0x9: {  	[smem:$0x3FAF] =	sst s1  }
0xa: {  	[smem:$0x3FB0] =	sst s2  }
0xb: {  	[smem:$0x3FB1] =	sst s3  }
0xc: {  	[smem:$0x3FB2] =	sst s4  }
0xd: {  	[smem:$0x3FB3] =	sst s5  }
0xe: {  	[smem:$0x3FB4] =	sst s6  }
0xf: {  	[smem:$0x3FB5] =	sst s7  }
0x10: {  	[smem:$0x3FB6] =	sst s8  }
0x11: {  	[smem:$0x3FB7] =	sst s9;
	s0 =	simm.s32 @!p0 $0x0  }
0x12: {  	s1 =	sld [smem:$0x3F9D];
	s0 =	simm.s32 @p0 $0x1  }
0x13: {  	[smem:$0x3FB8] =	sst s0;
	s0 =	simm.s32 @!p1 $0x0  }
0x14: {  	s2 =	sld [smem:$0x3F9C];
	s0 =	simm.s32 @p1 $0x1  }
0x15: {  	[smem:$0x3FB9] =	sst s0;
	s0 =	simm.s32 @!p2 $0x0  }
0x16: {  	s3 =	sld [smem:$0x3FDB];
	s0 =	simm.s32 @p2 $0x1  }
0x17: {  	s4 =	simm.s32 $0x1BF5;
	[smem:$0x3FBB] =	sst s0  }
0x18: {  	s0 =	sld [smem:$0x3F9E];
	_ =	swait.ge [sflag:s4], $0x0  }
0x19: {  	s7 =	sld [smem:$0x3F9F]  }
0x1a: {  	s8 =	sadd.s32 $0xFFFFE003, lr  }
0x1b: {  	s9 =	sadd.s32 $0xFFFFFEF7, lr;
	s5 =	simm.s32 $0xFFFFFFFF;
	p2 =	slt.u32 s8, $0xFFFFF086  }
0x1c: {  	p1 =	slt.u32 s9, $0xF7A;
	s5 =	simm.s32 @!p2 $0x0  }
0x1d: {  	s5 =	simm.s32 @p1 $0x1;
	p0 =	seq.s32 s7, s2  }
0x1e: {  	s7 =	smul.u32 @!p0 $0xF7A, s2;
	p2 =	seq.s32 @!p0 s5, $0x0  }
0x1f: {  	s9 =	smul.u32 $0xF7A, s1;
	s8 =	simm.s32 @!p0 $0x1BF5;
	p2 =	por !p2, p0  }
0x20: {  	[sflag:s8] =	ssyncset.s32 @!p0 $0xFFFFF086;
	s6 =	sadd.s32 @!p0 s3, s7;
	s7 =	simm.s32 @!p0 $0x108  }
0x21: {  	s3 =	sadd.s32 s3, s9;
	s6 =	sadd.s32 @!p0 $0x88, s6;
	s7 =	simm.s32 @p2 $0x1082  }
0x22: {  	[simem:s7], [sflag:s8] =	dma.local @!p0 [hbm:s6], $0xF7A  }
0x23: {  	s9 =	sor.u32 $0xD0000000, s2;
	s6 =	simm.s32 $0x108;
	_ =	swait.ge @!p0 [sflag:s8], $0x0  }
0x24: {  	s3 =	sadd.s32 $0x88, s3;
	s6 =	simm.s32 @!p1 $0x1082;
	[sflag:s4] =	ssyncset.s32 $0xFFFFF086  }
0x25: {  	[simem:s6], [sflag:s4] =	dma.local [hbm:s3], $0xF7A  }
0x26: {  	[smem:$0x3F9F] =	sst s1;
	(tag) =	ssettag s2;
	_ =	strace s9  }
0x27: {  	s1 =	sld [smem:$0x3FAF]  }
0x28: {  	s2 =	sld [smem:$0x3FB0]  }
0x29: {  	s4 =	sld [smem:$0x3FB2]  }
0x2a: {  	p0 =	seq.s32 s5, $0x0;
	s5 =	sld [smem:$0x3FB3]  }
0x2b: {  	s6 =	sld [smem:$0x3FB4]  }
0x2c: {  	s7 =	sld [smem:$0x3FB5]  }
0x2d: {  	s3 =	simm.s32 $0x108;
	s8 =	sld [smem:$0x3FB6]  }
0x2e: {  	s3 =	simm.s32 @!p0 $0x1082;
	s9 =	sld [smem:$0x3FB7]  }
0x2f: {  	lr =	sadd.s32 s0, s3;
	s0 =	sld [smem:$0x3FAE]  }
0x30: {  	s3 =	sld [smem:$0x3FB1]  }
0x31: {  	[smem:$0x3FBA] =	sst s10  }
0x32: {  	s10 =	sld [smem:$0x3FB8];
	_ =	sdelay $0x3  }
0x33: {  	p0 =	seq.s32 s10, $0x1;
	s10 =	sld [smem:$0x3FBA];
	_ =	sdelay $0x3  }
0x34: {  	[smem:$0x3FBA] =	sst s10  }
0x35: {  	s10 =	sld [smem:$0x3FB9];
	_ =	sdelay $0x3  }
0x36: {  	p1 =	seq.s32 s10, $0x1;
	s10 =	sld [smem:$0x3FBA];
	_ =	sdelay $0x3  }
0x37: {  	[smem:$0x3FBA] =	sst s10  }
0x38: {  	s10 =	sld [smem:$0x3FBB]  }
0x39: {  	_ = 	snop;
	(pc) =	sbr.ind lr, $3  }
0x3a: {  	_ = 	snop  }
0x3b: {  	_ = 	snop  }
0x3c: {  	p2 =	seq.s32 s10, $0x1;
	s10 =	sld [smem:$0x3FBA]  }
0x3d: {  	_ =	shalt  }
0x3e: {  	_ =	shalt  }
0x3f: {  	_ =	shalt  }
0x40: {  	_ =	shalt  }
0x41: {  	_ =	shalt  }
0x42: {  	_ =	shalt  }
0x43: {  	_ =	shalt  }
0x44: {  	_ =	shalt  }
0x45: {  	_ =	shalt  }
0x46: {  	_ =	shalt  }
0x47: {  	_ =	shalt  }
0x48: {  	_ =	shalt  }
0x49: {  	_ =	shalt  }
0x4a: {  	_ =	shalt  }
0x4b: {  	_ =	shalt  }
0x4c: {  	_ =	shalt  }
0x4d: {  	_ =	shalt  }
0x4e: {  	_ =	shalt  }
0x4f: {  	_ =	shalt  }
0x50: {  	_ =	shalt  }
0x51: {  	_ =	shalt  }
0x52: {  	_ =	shalt  }
0x53: {  	_ =	shalt  }
0x54: {  	_ =	shalt  }
0x55: {  	_ =	shalt  }
0x56: {  	_ =	shalt  }
0x57: {  	_ =	shalt  }
0x58: {  	_ =	shalt  }
0x59: {  	_ =	shalt  }
0x5a: {  	_ =	shalt  }
0x5b: {  	_ =	shalt  }
0x5c: {  	_ =	shalt  }
0x5d: {  	_ =	shalt  }
0x5e: {  	_ =	shalt  }
0x5f: {  	_ =	shalt  }
0x60: {  	_ =	shalt  }
0x61: {  	_ =	shalt  }
0x62: {  	_ =	shalt  }
0x63: {  	_ =	shalt  }
0x64: {  	_ =	shalt  }
0x65: {  	_ =	shalt  }
0x66: {  	_ =	shalt  }
0x67: {  	_ =	shalt  }
0x68: {  	_ =	shalt  }
0x69: {  	_ =	shalt  }
0x6a: {  	_ =	shalt  }
0x6b: {  	_ =	shalt  }
0x6c: {  	_ =	shalt  }
0x6d: {  	_ =	shalt  }
0x6e: {  	_ =	shalt  }
0x6f: {  	_ =	shalt  }
0x70: {  	_ =	shalt  }
0x71: {  	_ =	shalt  }
0x72: {  	_ =	shalt  }
0x73: {  	_ =	shalt  }
0x74: {  	_ =	shalt  }
0x75: {  	_ =	shalt  }
0x76: {  	_ =	shalt  }
0x77: {  	_ =	shalt  }
0x78: {  	_ =	shalt  }
0x79: {  	_ =	shalt  }
0x7a: {  	_ =	shalt  }
0x7b: {  	_ =	shalt  }
0x7c: {  	_ =	shalt  }
0x7d: {  	_ =	shalt  }
0x7e: {  	_ =	shalt  }
0x7f: {  	_ =	shalt  }
0x80: {  	_ =	shalt  }
0x81: {  	_ =	shalt  }
0x82: {  	_ =	shalt  }
0x83: {  	_ =	shalt  }
0x84: {  	_ =	shalt  }
0x85: {  	_ =	shalt  }
0x86: {  	_ =	shalt  }
0x87: {  	_ =	shalt  }
.Lfunc_end0:
.L_simem_size_0:
called_computation_lowered:
.L_overlay_start_0:
0x88: {  	s2 =	sld [smem:$0x3FD9]  }
0x89: {  	s3 =	sld [smem:$0x3FFE];
	_ =	sdelay $0x1  }
0x8a: {  	s1 =	srdreg.scid  }
0x8b: {  	s0 =	sand.u32 $0x1, s1  }
0x8c: {  	s17 =	sshll.u32 s0, $0xA;
	s2 =	sadd.s32 s3, s2  }
0x8d: {  	s2 =	sadd.s32 s2, s17  }
0x8e: {  	[smem:$0x3FC6] =	sst s2  }
0x8f: {  	_ = 	snop  }
0x90: {  	s2 =	sld [smem:$0x3FD0];
	(tm) =	ssettm $0x1  }
0x91: {  	s18 =	sld [smem:$0x3FFB];
	_ =	sdelay $0x3  }
0x92: {  	_ =	strace s18  }
0x93: {  	s3 =	sld [smem:$0x3FFC];
	_ =	sdelay $0x3  }
0x94: {  	_ =	strace s3  }
0x95: {  	s3 =	sld [smem:$0x3FFD];
	_ =	sdelay $0x3  }
0x96: {  	_ =	strace s3  }
0x97: {  	_ =	strace $0x8FFFFFFF  }
0x98: {  	s19 =	sld [smem:$0x3FDB];
	_ =	sdelay $0x1  }
0x99: {  	s4 =	simm.s32 $_scs_section_size  }
0x9a: {  	s5 =	simm.s32 $_size__tile_overlayer_lowered;
	s6 =	simm.s32 $_tile_overlayer_lowered  }
0x9b: {  	s22 =	simm.s32 $0x1BFF;
	s21 =	sshll.u32 s6, $0x1;
	s3 =	sadd.s32 s4, s19  }
0x9c: {  	s7 =	simm.s32 $0x0;
	s20 =	sshll.u32 s5, $0x1;
	s5 =	sadd.s32 s21, s3  }
0x9d: {  	[timem:s7], [sflag:s22] =	dma.local [hbm:s5], s20  }
0x9e: {  	_ =	swait.ge [sflag:s22], s20  }
0x9f: {  	s4 =	ssub.s32 $0x0, s20;
	[sflag:s22] =	ssyncset.done $0x0  }
0xa0: {  	[sflag:s22] =	ssyncadd.s32 s4;
	_ =	sdelay $0x1  }
0xa1: {  	s23 =	simm.s32 $0x1B8B  }
0xa2: {  	_ =	swait.ge [sflag:s23], $0x1  }
0xa3: {  	[sflag:s23] =	ssyncset.done $0x0  }
0xa4: {  	s25 =	simm.s32 $0x1B8E;
	s24 =	sld [smem:$0x3FFE];
	[sflag:s23] =	ssyncadd.s32 $0xFFFFFFFF  }
0xa5: {  	s26 =	simm.s32 $execute0_lowered;
	[smem:$0x3FD2] =	sst s25  }
0xa6: {  	s5 =	sshll.u32 s26, $0x1;
	_ =	strace $0x80000046;
	[dreg:$0x1] =	wrdreg $0xFFFFFFFF  }
0xa7: {  	s28 =	simm.s32 $_size_execute0_lowered;
	s3 =	sadd.s32 s3, s5;
	[dreg:$0x0] =	wrdreg $0x0  }
0xa8: {  	s5 =	sshll.u32 s28, $0x1;
	[dreg:$0x2] =	wrdreg s3  }
0xa9: {  	[dreg:$0x3] =	wrdreg s5  }
0xaa: {  	[dreg:$0x4] =	wrdreg $0xC0  }
0xab: {  	_ =	task [dreg:s7], $0x5FFFF  }
0xac: {  	[dreg:$0x1] =	wrdreg $0xFFFFFFFF  }
0xad: {  	[dreg:$0x0] =	wrdreg $0x60  }
0xae: {  	[dreg:$0x2] =	wrdreg s24  }
0xaf: {  	[dreg:$0x3] =	wrdreg s2  }
0xb0: {  	[dreg:$0x4] =	wrdreg $0x9  }
0xb1: {  	_ =	task.clear_ibuf [dreg:s7], $0x5FFFF;
	_ =	strace $0x90000046  }
0xb2: {  	s29 =	simm.s32 $0x9;
	_ =	strace $0x80000048  }
0xb3: {  	_ =	swait.ge [sflag:s29], $0x1  }
0xb4: {  	[sflag:s29] =	ssyncadd.s32 $0xFFFFFFFF  }
0xb5: {  	_ =	strace $0x90000048  }
0xb6: {  	_ =	sfence  }
0xb7: {  	s30 =	sld [smem:$0x0];
	_ =	sdelay $0x2  }
0xb8: {  	s31 =	sshll.u32 s1, $0xD;
	s1 =	sshrl.u32 s1, $0x2  }
0xb9: {  	s3 =	sand.u32 $0x4000, s31;
	s1 =	sadd.s32 s1, s30  }
0xba: {  	s0 =	sor.u32 s3, s0;
	s1 =	sshll.u32 s1, $0x11  }
0xbb: {  	s0 =	sor.u32 s1, s0  }
0xbc: {  	s0 =	sadd.s32 $0x8F2B, s0  }
0xbd: {  	[sflag:s0] =	ssyncadd.remote.s32 $0x1  }
0xbe: {  	_ =	sfence.sel $0xFFFF  }
0xbf: {  	[dreg:$0x0] =	wrdreg $0xFFFFFFFF;
	(pc) =	sbr.abs _section_cstart, $3  }
0xc0: {  	[dreg:$0x1] =	wrdreg $0xFFFFFFFF  }
0xc1: {  	_ =	task.clear_ibuf [dreg:s7], $0x2FFFF;
	_ =	strace $0x9FFFFFFF  }
0xc2: {  	(tm) =	ssettm $0x7FFFFFFF  }
0xc3: {  	_ =	shalt  }
tec
execute0_lowered:
.L_overlay_start_1:
0x0: {  	(tag) =	ssettag $0x1  }
0x1: {  	s1 =	srdreg.scid;
	s3 =	rddreg [dreg:$0x0]  }
0x2: {  	s0 =	stileid.u32;
	s5 =	rddreg [dreg:$0x1];
	s2 =	simm.s32 $0x0  }
0x3: {  	s9 =	simm.s32 $0x6800;
	s10 =	simm.s32 $0x7480;
	s11 =	simm.s32 $0x1  }
0x4: {  	s12 =	simm.s32 $0x8100;
	s13 =	simm.s32 $0x0;
	s4 =	sand.u32 $0x1, s1  }
0x5: {  	s6 =	sshll.u32 s0, $0x8;
	s1 =	rddreg [dreg:$0x2];
	s7 =	sshll.u32 s4, $0x7  }
0x6: {  	[smem:$0x7FF] =	sst s2;
	s4 =	ssub.s32 $0x2, s4;
	s6 =	sor.u32 s7, s6  }
0x7: {  	s8 =	sshrl.u32 s4, $0x1;
	s7 =	smul.u32 $0x1A, s6;
	s6 =	sshll.u32 s6, $0x2  }
0x8: {  	_ =	strace $0x80000047;
	s8 =	ssub.s32 s4, s8;
	s5 =	sadd.s32 s5, s6  }
0x9: {  	s6 =	smax.u32 s8, $0x1;
	s8 =	simm.s32 $0x64;
	s7 =	sadd.s32 s7, s3  }
0xa: {  	s3 =	sadd.s32 $0xF42A00, s3;
	s4 =	sadd.s32 $0x600, s7;
	s7 =	simm.s32 $0x2  }
.LBB2_1:
0xb: {  	[tilespmem:s2], [sflag:$0x2] =	stream.linear.gather [hbm4b:s4+s2], $0x6800, $0x38;
	[tilespmem:$0x9100] =	vst v63  }
0xc: {  	_ =	swait.ge [sflag:s7], $0x6800  }
0xd: {  	[sflag:s7] =	ssyncset.done $0x0  }
0xe: {  	s14 =	simm.s32 $0x0;
	[sflag:s7] =	ssyncadd.s32 $0xFFFF9800  }
.LBB2_2:
0xf: {  	s15 =	smul.u32 $0x340, s14;
	_ =	sdelay $0x1  }
0x10: {  	s15 =	sshra.s32 s15, $0x2  }
0x11: {  	[tilespmem:s9], [sflag:$0x1] =	stream.indirect.gather [hbm4b:s3+s8], $0x20, s15, s8, $0xb8;
	[tilespmem:$0x9100] =	vst v63  }
0x12: {  	s15 =	sadd.s32 $0x68, s15  }
0x13: {  	[tilespmem:s10], [sflag:$0x1] =	stream.indirect.gather [hbm4b:s3+s8], $0x20, s15, s8, $0xb8;
	[tilespmem:$0x9100] =	vst v63  }
0x14: {  	_ =	swait.ge [sflag:s11], $0xC80  }
0x15: {  	[sflag:s11] =	ssyncset.done $0x0  }
0x16: {  	[sflag:s11] =	ssyncadd.s32 $0xFFFFF380  }
0x17: {  	_ =	swait.ge [sflag:s11], $0xC80  }
0x18: {  	[sflag:s11] =	ssyncset.done $0x0  }
0x19: {  	s16 =	simm.s32 $0x0;
	[sflag:s11] =	ssyncadd.s32 $0xFFFFF380  }
0x1a: {  	v0 =	vld [tilespmem:s16+$0x6800]  }
0x1b: {  	v1 =	vld [tilespmem:s16+$0x6810]  }
0x1c: {  	v2 =	vld [tilespmem:s16+$0x6820]  }
0x1d: {  	v3 =	vld [tilespmem:s16+$0x6830]  }
0x1e: {  	v4 =	vld [tilespmem:s16+$0x6840]  }
0x1f: {  	v5 =	vimm.f32 $0.0e+00;
	v6 =	vld [tilespmem:s16+$0x6850]  }
0x20: {  	v7 =	vld [tilespmem:s16+$0x6870];
	v0 =	vadd.f32 v0, v5;
	v1 =	vadd.f32 v1, v5  }
0x21: {  	v5 =	vld [tilespmem:s16+$0x6860]  }
0x22: {  	v8 =	vld [tilespmem:s16+$0x6890];
	v0 =	vadd.f32 v2, v0;
	v1 =	vadd.f32 v3, v1  }
0x23: {  	v3 =	vld [tilespmem:s16+$0x6880]  }
0x24: {  	v9 =	vld [tilespmem:s16+$0x68B0];
	v0 =	vadd.f32 v4, v0;
	v1 =	vadd.f32 v6, v1  }
0x25: {  	v6 =	vld [tilespmem:s16+$0x68A0]  }
0x26: {  	v2 =	vld [tilespmem:s16+$0x68D0];
	v0 =	vadd.f32 v5, v0;
	v4 =	vadd.f32 v7, v1  }
0x27: {  	v1 =	vld [tilespmem:s16+$0x68C0]  }
0x28: {  	v5 =	vadd.f32 v3, v0;
	v7 =	vadd.f32 v8, v4;
	v3 =	vld [tilespmem:s16+$0x68E0]  }
0x29: {  	s15 =	simm.s32 $0x100;
	v4 =	vld [tilespmem:s16+$0x68F0]  }
0x2a: {  	v0 =	vld [tilespmem:s15+$0x6800];
	s16 =	simm.s32 $0x800;
	v6 =	vadd.f32 v6, v5;
	v5 =	vadd.f32 v9, v7  }
.LBB2_3:
0x2b: {  	p0 =	sne.s32 s16, $0x6000;
	v7 =	vld [tilespmem:s15+$0x6810]  }
0x2c: {  	v8 =	vld [tilespmem:s15+$0x6820];
	v1 =	vadd.f32 v1, v6;
	v2 =	vadd.f32 v2, v5  }
0x2d: {  	v5 =	vld [tilespmem:s15+$0x6830]  }
0x2e: {  	v6 =	vld [tilespmem:s15+$0x6840];
	v1 =	vadd.f32 v3, v1;
	v2 =	vadd.f32 v4, v2  }
0x2f: {  	v3 =	vld [tilespmem:s15+$0x6850]  }
0x30: {  	v0 =	vadd.f32 v0, v1;
	v1 =	vadd.f32 v7, v2;
	v2 =	vld [tilespmem:s15+$0x6860]  }
0x31: {  	v4 =	vld [tilespmem:s15+$0x6870]  }
0x32: {  	v0 =	vadd.f32 v8, v0;
	v1 =	vadd.f32 v5, v1;
	v5 =	vld [tilespmem:s15+$0x6880]  }
0x33: {  	v7 =	vld [tilespmem:s15+$0x6890]  }
0x34: {  	v0 =	vadd.f32 v6, v0;
	v1 =	vadd.f32 v3, v1;
	v6 =	vld [tilespmem:s15+$0x68A0]  }
0x35: {  	v8 =	vld [tilespmem:s15+$0x68B0]  }
.Ltmp0:
0x36: {  	v0 =	vadd.f32 v2, v0;
	v3 =	vadd.f32 v4, v1;
	v1 =	vld [tilespmem:s15+$0x68C0];
	(pc) =	sbr.rel @p0 .LBB2_3-.Ltmp0, $4  }
0x37: {  	v2 =	vld [tilespmem:s15+$0x68D0]  }
0x38: {  	v5 =	vadd.f32 v5, v0;
	v7 =	vadd.f32 v7, v3;
	v3 =	vld [tilespmem:s15+$0x68E0]  }
0x39: {  	v4 =	vld [tilespmem:s15+$0x68F0];
	s15 =	sshra.s32 s16, $0x2  }
0x3a: {  	s16 =	sadd.s32 $0x400, s16;
	v0 =	vld [tilespmem:s15+$0x6800];
	v6 =	vadd.f32 v6, v5;
	v5 =	vadd.f32 v8, v7  }
0x3b: {  	_ = 	snop  }
0x3c: {  	v7 =	vld [tilespmem:s15+$0x6810];
	v1 =	vadd.f32 v1, v6  }
0x3d: {  	v49 =	vld [tilespmem:s15+$0x6820];
	v2 =	vadd.f32 v2, v5  }
0x3e: {  	v50 =	vld [tilespmem:s15+$0x6830];
	v1 =	vadd.f32 v3, v1  }
0x3f: {  	v51 =	vld [tilespmem:s15+$0x6840];
	v2 =	vadd.f32 v4, v2  }
0x40: {  	v52 =	vld [tilespmem:s15+$0x6850];
	v0 =	vadd.f32 v0, v1  }
0x41: {  	v54 =	vld [tilespmem:s15+$0x6860];
	v53 =	vadd.f32 v7, v2  }
0x42: {  	v55 =	vld [tilespmem:s15+$0x6870];
	v0 =	vadd.f32 v49, v0  }
0x43: {  	v56 =	vld [tilespmem:s15+$0x6880];
	v1 =	vadd.f32 v50, v53  }
0x44: {  	v57 =	vld [tilespmem:s15+$0x6890];
	v0 =	vadd.f32 v51, v0  }
0x45: {  	v58 =	vld [tilespmem:s15+$0x68A0];
	v1 =	vadd.f32 v52, v1  }
0x46: {  	v59 =	vld [tilespmem:s15+$0x68B0];
	v0 =	vadd.f32 v54, v0  }
0x47: {  	v60 =	vld [tilespmem:s15+$0x68C0];
	v1 =	vadd.f32 v55, v1  }
0x48: {  	v61 =	vld [tilespmem:s15+$0x68D0];
	v0 =	vadd.f32 v56, v0  }
0x49: {  	v62 =	vld [tilespmem:s15+$0x68E0];
	v1 =	vadd.f32 v57, v1  }
0x4a: {  	v63 =	vld [tilespmem:s15+$0x68F0];
	v0 =	vadd.f32 v58, v0  }
0x4b: {  	s31 =	sshll.u32 s14, $0x5;
	s14 =	sadd.s32 $0x1, s14;
	v1 =	vadd.f32 v59, v1  }
0x4c: {  	p0 =	sne.s32 s14, $0x80;
	v0 =	vadd.f32 v60, v0  }
.Ltmp1:
0x4d: {  	v1 =	vadd.f32 v61, v1;
	(pc) =	sbr.rel @p0 .LBB2_2-.Ltmp1, $4  }
0x4e: {  	v0 =	vadd.f32 v62, v0  }
0x4f: {  	s15 =	sand.u32 $0x3FFFFFE0, s31;
	v1 =	vadd.f32 v63, v1  }
0x50: {  	[tilespmem:s15+$0x8100] =	vst v0  }
0x51: {  	[tilespmem:s15+$0x8110] =	vst v1  }
0x52: {  	s13 =	sadd.s32 $0x1, s13  }
0x53: {  	p0 =	sne.s32 s13, s6  }
.Ltmp2:
0x54: {  	_ = 	snop;
	(pc) =	sbr.rel @p0 .LBB2_1-.Ltmp2, $4  }
0x55: {  	[hbm4b:s5+s2] =	stream.linear.scatter [tilespmem:s12], [sflag:$0x2], $0x1000, $0x38;
	[tilespmem:$0x9100] =	vst v63  }
0x56: {  	_ =	swait.ge [sflag:s7], $0x1000  }
0x57: {  	[sflag:s7] =	ssyncset.done $0x0  }
0x58: {  	[sflag:s7] =	ssyncadd.s32 $0xFFFFF000  }
0x59: {  	_ =	sfence.sel $0x180000  }
0x5a: {  	[bflag:$0x0] =	sbarrier.arrive $0xFFFF  }
0x5b: {  	p0 =	sne.s32 s0, $0x0;
	_ =	strace $0x90000047  }
0x5c: {  	s0 =	sadd.s32 @!p0 $0x100000, s1;
	[bflag:$0x2] =	sbarrier.arrive $0xFFFF  }
0x5d: {  	[sflag:s0] =	ssyncadd.tile.s32 @!p0 $0x1;
	_ =	shalt  }
.Lfunc_end2:
_tile_overlayer_lowered:
.L_overlay_start_2:
0x5e: {  	(tag) =	ssettag $0x2  }
0x5f: {  	s0 =	rddreg [dreg:$0x0];
	s2 =	stileid.u32  }
0x60: {  	s1 =	rddreg [dreg:$0x1];
	p0 =	sne.s32 s2, $0x0  }
0x61: {  	s3 =	rddreg [dreg:$0x2];
	[bflag:$0x3] =	sbarrier.arrive $0xFFFF;
	s2 =	simm.s32 @!p0 $0x1C02  }
0x62: {  	[timem:s3], [sflag:s2] =	dma.local @!p0 [hbm:s0], s1  }
0x63: {  	s0 =	simm.s32 @!p0 $0x2  }
0x64: {  	_ =	swait.ge @!p0 [sflag:s0], s1  }
0x65: {  	s1 =	ssub.s32 @!p0 $0x0, s1;
	[sflag:s0] =	ssyncset.done @!p0 $0x0  }
0x66: {  	[sflag:s0] =	ssyncadd.s32 @!p0 s1  }
0x67: {  	[bflag:$0x3] =	sbarrier.arrive $0xFFFF  }
0x68: {  	_ =	shalt  }

</sc_bundles>
